<compile_context>
chip_gen: v7x
topology: tpu7x:2x2x1
jax: 0.10.2.dev20260603
libtpu: 0.0.44.dev20260713+nightly
codegen_flags: <defaults>
</compile_context>

<pallas_src>
import jax
import jax.numpy as jnp
from jax import lax
from jax.experimental import pallas as pl
from jax.experimental.pallas import tpu as pltpu
from jax.experimental.pallas import tpu_sc as plsc

N_ATOM_BASIS = 128
VOCAB = 100
NUM_ATOMS = 100000

_BLK = 128
_NW = 32
_CHUNK = 3128
_LAST_CHUNK_START = NUM_ATOMS - _CHUNK
_ITERS = 25
_LAST_OFF = _CHUNK - _BLK
_NBUF = 5
_GROUPS = 5


def _gather_kernel(table_hbm, idx_hbm, out_hbm, table_sh, idx_v, *bufs):
    rows = bufs[:_NBUF]
    gsem = bufs[_NBUF:2 * _NBUF]
    ssem = bufs[2 * _NBUF:3 * _NBUF]
    sid = lax.axis_index("s")
    wid = sid * 2 + lax.axis_index("c")
    chunk = jnp.minimum(wid * _CHUNK, _LAST_CHUNK_START)

    @pl.when(sid == 0)
    def _stage_table():
        pltpu.sync_copy(table_hbm, table_sh)

    pltpu.sync_copy(idx_hbm.at[pl.ds(chunk, _CHUNK)], idx_v)
    plsc.subcore_barrier()

    def group(j, _):
        offs = [jnp.minimum((j * _NBUF + b) * _BLK, _LAST_OFF)
                for b in range(_NBUF)]
        hs = [
            pltpu.async_copy(
                table_sh.at[idx_v.at[pl.ds(offs[b], _BLK)]], rows[b], gsem[b]
            )
            for b in range(_NBUF)
        ]
        ss = []
        for b in range(_NBUF):
            hs[b].wait()
            ss.append(
                pltpu.async_copy(
                    rows[b], out_hbm.at[pl.ds(chunk + offs[b], _BLK)], ssem[b]
                )
            )
        for st in ss:
            st.wait()
        return ()

    lax.fori_loop(0, _GROUPS, group, ())


def _zeros_body(o_ref):
    o_ref[...] = jnp.zeros_like(o_ref)


@jax.jit
def kernel(z_number, atom_embed_weight):
    z = z_number.astype(jnp.int32)

    mesh = plsc.VectorSubcoreMesh(core_axis_name="c", subcore_axis_name="s")
    gather = pl.kernel(
        _gather_kernel,
        mesh=mesh,
        out_type=jax.ShapeDtypeStruct((NUM_ATOMS, N_ATOM_BASIS), jnp.float32),
        scratch_types=(
            [pltpu.VMEM_SHARED((VOCAB, N_ATOM_BASIS), jnp.float32)]
            + [pltpu.VMEM((_CHUNK,), jnp.int32)]
            + [pltpu.VMEM((_BLK, N_ATOM_BASIS), jnp.float32)] * _NBUF
            + [pltpu.SemaphoreType.DMA] * (2 * _NBUF)
        ),
    )
    s_i = gather(atom_embed_weight, z)

    v_planes = pl.pallas_call(
        _zeros_body,
        out_shape=jax.ShapeDtypeStruct((3, NUM_ATOMS, N_ATOM_BASIS), jnp.float32),
        grid=(20,),
        out_specs=pl.BlockSpec((3, 5000, N_ATOM_BASIS), lambda i: (0, i, 0)),
    )()
    v_i = jnp.transpose(v_planes, (1, 2, 0))
    return (s_i, v_i)

# --- scband reference (transcript-rebuilt; emitter-appended) ---
"""Pipeline reference for scband-embedding-block-85177791414824 (READ-ONLY COPY).

The authoritative reference and input builder live on the scoring server;
editing this copy changes nothing except your own understanding.
"""

import jax, jax.numpy as jnp
import numpy as np

N_ATOM_BASIS = 128
VOCAB = 100

def setup_inputs(seed: int = 0) -> dict:
    key = jax.random.key(seed)
    k1, k2 = jax.random.split(key)
    z_number = jax.random.randint(k1, (100000,), 0, VOCAB, dtype=jnp.int64 if jax.config.jax_enable_x64 else jnp.int32)
    table = jax.random.normal(k2, (VOCAB, N_ATOM_BASIS), dtype=jnp.float32)
    # padding_idx=0: row 0 is zeros, as in nn.Embedding(padding_idx=0)
    table = table.at[0].set(0.0)
    return {"z_number": z_number, "atom_embed_weight": table}

def reference(z_number, atom_embed_weight):
    num_atoms = z_number.shape[0]
    # embedding lookup (gather)
    s_i = jnp.take(atom_embed_weight, z_number, axis=0)
    v_i = jnp.zeros((num_atoms, N_ATOM_BASIS, 3), dtype=s_i.dtype)
    return (s_i, v_i)

if __name__ == "__main__":
    import jax
    _d = setup_inputs()
    print(jax.jit(kernel)(*tuple(_d.values())))

</pallas_src>

<mosaic_0001>
#map = affine_map<(d0, d1) -> (0, 0)>
#map1 = affine_map<(d0, d1) -> (0)>
module attributes {stable_mosaic.version = 14 : i64} {
  func.func @_gather_kernel(%arg0: i32, %arg1: i32, %arg2: memref<100x128xf32, #tpu.memory_space<hbm>>, %arg3: memref<100000xi32, #tpu.memory_space<hbm>>, %arg4: memref<100000x128xf32, #tpu.memory_space<hbm>>, %arg5: memref<100x128xf32, #tpu.memory_space<vmem_shared>>, %arg6: memref<3128xi32, #tpu.memory_space<vmem>>, %arg7: memref<128x128xf32, #tpu.memory_space<vmem>>, %arg8: memref<128x128xf32, #tpu.memory_space<vmem>>, %arg9: memref<128x128xf32, #tpu.memory_space<vmem>>, %arg10: memref<128x128xf32, #tpu.memory_space<vmem>>, %arg11: memref<128x128xf32, #tpu.memory_space<vmem>>, %arg12: memref<!tpu.dma_semaphore, #tpu.memory_space<semaphore_mem>>, %arg13: memref<!tpu.dma_semaphore, #tpu.memory_space<semaphore_mem>>, %arg14: memref<!tpu.dma_semaphore, #tpu.memory_space<semaphore_mem>>, %arg15: memref<!tpu.dma_semaphore, #tpu.memory_space<semaphore_mem>>, %arg16: memref<!tpu.dma_semaphore, #tpu.memory_space<semaphore_mem>>, %arg17: memref<!tpu.dma_semaphore, #tpu.memory_space<semaphore_mem>>, %arg18: memref<!tpu.dma_semaphore, #tpu.memory_space<semaphore_mem>>, %arg19: memref<!tpu.dma_semaphore, #tpu.memory_space<semaphore_mem>>, %arg20: memref<!tpu.dma_semaphore, #tpu.memory_space<semaphore_mem>>, %arg21: memref<!tpu.dma_semaphore, #tpu.memory_space<semaphore_mem>>) attributes {dimension_semantics = [#tpu.dimension_semantics<core_parallel>, #tpu.dimension_semantics<subcore_parallel>], iteration_bounds = array<i64: 2, 16>, scalar_prefetch = 0 : i64, scratch_operands = 17 : i64, tpu.core_type = #tpu.core_type<sc_vector_subcore>, window_params = [{transform_indices = #map}, {transform_indices = #map1}, {transform_indices = #map}]} {
    %mul3A = arith.constant 2 : i32
    %mul3A_0 = arith.muli %arg1, %mul3A : i32
    %add3A = arith.addi %mul3A_0, %arg0 : i32
    %mul3A_1 = arith.constant 3128 : i32
    %mul3A_2 = arith.muli %add3A, %mul3A_1 : i32
    %min3A = arith.constant 96872 : i32
    %min3A_3 = arith.minsi %mul3A_2, %min3A : i32
    %eq3A = arith.constant 0 : i32
    %eq3A_4 = arith.cmpi eq, %arg1, %eq3A : i32
    %convert_element_type3A = arith.extui %eq3A_4 : i1 to i32
    %cond3A = arith.constant 0 : i32
    %cond3A_5 = arith.cmpi ne, %convert_element_type3A, %cond3A : i32
    scf.if %cond3A_5 {
      "tpu.region"() ({
        %run_scoped3A = tpu.sem_alloc : memref<!tpu.dma_semaphore, #tpu.memory_space<semaphore_mem>>
        tpu.enqueue_dma source(%arg2 : memref<100x128xf32, #tpu.memory_space<hbm>>) target(%arg5 : memref<100x128xf32, #tpu.memory_space<vmem_shared>>) target_semaphore(%run_scoped3A : memref<!tpu.dma_semaphore, #tpu.memory_space<semaphore_mem>>)
        tpu.wait_dma2 semaphore(%run_scoped3A : memref<!tpu.dma_semaphore, #tpu.memory_space<semaphore_mem>>) src(%arg2 : memref<100x128xf32, #tpu.memory_space<hbm>>) dst(%arg5 : memref<100x128xf32, #tpu.memory_space<vmem_shared>>)
        tpu.yield
      }) : () -> ()
    } else {
    }
    "tpu.region"() ({
      %run_scoped3A = tpu.sem_alloc : memref<!tpu.dma_semaphore, #tpu.memory_space<semaphore_mem>>
      %dma_start3A = tpu.memref_slice %arg3[%min3A_3] : memref<100000xi32, #tpu.memory_space<hbm>> -> memref<3128xi32, #tpu.memory_space<hbm>>
      %dma_start3A_10 = tpu.memref_slice %arg3[%min3A_3] : memref<100000xi32, #tpu.memory_space<hbm>> -> memref<3128xi32, #tpu.memory_space<hbm>>
      tpu.enqueue_dma source(%dma_start3A_10 : memref<3128xi32, #tpu.memory_space<hbm>>) target(%arg6 : memref<3128xi32, #tpu.memory_space<vmem>>) target_semaphore(%run_scoped3A : memref<!tpu.dma_semaphore, #tpu.memory_space<semaphore_mem>>)
      %dma_wait3A = tpu.memref_slice %arg3[%min3A_3] : memref<100000xi32, #tpu.memory_space<hbm>> -> memref<3128xi32, #tpu.memory_space<hbm>>
      %dma_wait3A_11 = tpu.memref_slice %arg3[%min3A_3] : memref<100000xi32, #tpu.memory_space<hbm>> -> memref<3128xi32, #tpu.memory_space<hbm>>
      tpu.wait_dma2 semaphore(%run_scoped3A : memref<!tpu.dma_semaphore, #tpu.memory_space<semaphore_mem>>) src(%dma_wait3A_11 : memref<3128xi32, #tpu.memory_space<hbm>>) dst(%arg6 : memref<3128xi32, #tpu.memory_space<vmem>>)
      tpu.yield
    }) : () -> ()
    %barrier3A = arith.constant 0 : index
    tpu.barrier barrier_id(%barrier3A)
    %scan3A = arith.constant 0 : i32
    %scan3A_6 = arith.constant 5 : i32
    %scan3A_7 = arith.addi %scan3A, %scan3A_6 : i32
    %scan3A_8 = arith.constant 1 : i32
    scf.for %scan3A_10 = %scan3A to %scan3A_7 step %scan3A_8  : i32 {
      %mul3A_11 = arith.constant 5 : i32
      %mul3A_12 = arith.muli %scan3A_10, %mul3A_11 : i32
      %add3A_13 = arith.constant 0 : i32
      %add3A_14 = arith.addi %mul3A_12, %add3A_13 : i32
      %mul3A_15 = arith.constant 128 : i32
      %mul3A_16 = arith.muli %add3A_14, %mul3A_15 : i32
      %min3A_17 = arith.constant 3000 : i32
      %min3A_18 = arith.minsi %mul3A_16, %min3A_17 : i32
      %mul3A_19 = arith.constant 5 : i32
      %mul3A_20 = arith.muli %scan3A_10, %mul3A_19 : i32
      %add3A_21 = arith.constant 1 : i32
      %add3A_22 = arith.addi %mul3A_20, %add3A_21 : i32
      %mul3A_23 = arith.constant 128 : i32
      %mul3A_24 = arith.muli %add3A_22, %mul3A_23 : i32
      %min3A_25 = arith.constant 3000 : i32
      %min3A_26 = arith.minsi %mul3A_24, %min3A_25 : i32
      %mul3A_27 = arith.constant 5 : i32
      %mul3A_28 = arith.muli %scan3A_10, %mul3A_27 : i32
      %add3A_29 = arith.constant 2 : i32
      %add3A_30 = arith.addi %mul3A_28, %add3A_29 : i32
      %mul3A_31 = arith.constant 128 : i32
      %mul3A_32 = arith.muli %add3A_30, %mul3A_31 : i32
      %min3A_33 = arith.constant 3000 : i32
      %min3A_34 = arith.minsi %mul3A_32, %min3A_33 : i32
      %mul3A_35 = arith.constant 5 : i32
      %mul3A_36 = arith.muli %scan3A_10, %mul3A_35 : i32
      %add3A_37 = arith.constant 3 : i32
      %add3A_38 = arith.addi %mul3A_36, %add3A_37 : i32
      %mul3A_39 = arith.constant 128 : i32
      %mul3A_40 = arith.muli %add3A_38, %mul3A_39 : i32
      %min3A_41 = arith.constant 3000 : i32
      %min3A_42 = arith.minsi %mul3A_40, %min3A_41 : i32
      %mul3A_43 = arith.constant 5 : i32
      %mul3A_44 = arith.muli %scan3A_10, %mul3A_43 : i32
      %add3A_45 = arith.constant 4 : i32
      %add3A_46 = arith.addi %mul3A_44, %add3A_45 : i32
      %mul3A_47 = arith.constant 128 : i32
      %mul3A_48 = arith.muli %add3A_46, %mul3A_47 : i32
      %min3A_49 = arith.constant 3000 : i32
      %min3A_50 = arith.minsi %mul3A_48, %min3A_49 : i32
      %dma_start3A = tpu.memref_slice %arg6[%min3A_18] : memref<3128xi32, #tpu.memory_space<vmem>> -> memref<128xi32, #tpu.memory_space<vmem>>
      %dma_start3A_51 = arith.constant 0 : i32
      %dma_start3A_52 = arith.constant 0 : i32
      %dma_start3A_53 = tpu.memref_slice %arg5[%dma_start3A_51, %dma_start3A_52] : memref<100x128xf32, #tpu.memory_space<vmem_shared>> -> memref<100x128xf32, #tpu.memory_space<vmem_shared>>
      tpu.enqueue_indirect_dma source(%dma_start3A_53 : memref<100x128xf32, #tpu.memory_space<vmem_shared>>) target(%arg7 : memref<128x128xf32, #tpu.memory_space<vmem>>) offsets(%dma_start3A : memref<128xi32, #tpu.memory_space<vmem>>) semaphore(%arg12 : memref<!tpu.dma_semaphore, #tpu.memory_space<semaphore_mem>>)
      %dma_start3A_54 = tpu.memref_slice %arg6[%min3A_26] : memref<3128xi32, #tpu.memory_space<vmem>> -> memref<128xi32, #tpu.memory_space<vmem>>
      %dma_start3A_55 = arith.constant 0 : i32
      %dma_start3A_56 = arith.constant 0 : i32
      %dma_start3A_57 = tpu.memref_slice %arg5[%dma_start3A_55, %dma_start3A_56] : memref<100x128xf32, #tpu.memory_space<vmem_shared>> -> memref<100x128xf32, #tpu.memory_space<vmem_shared>>
      tpu.enqueue_indirect_dma source(%dma_start3A_57 : memref<100x128xf32, #tpu.memory_space<vmem_shared>>) target(%arg8 : memref<128x128xf32, #tpu.memory_space<vmem>>) offsets(%dma_start3A_54 : memref<128xi32, #tpu.memory_space<vmem>>) semaphore(%arg13 : memref<!tpu.dma_semaphore, #tpu.memory_space<semaphore_mem>>)
      %dma_start3A_58 = tpu.memref_slice %arg6[%min3A_34] : memref<3128xi32, #tpu.memory_space<vmem>> -> memref<128xi32, #tpu.memory_space<vmem>>
      %dma_start3A_59 = arith.constant 0 : i32
      %dma_start3A_60 = arith.constant 0 : i32
      %dma_start3A_61 = tpu.memref_slice %arg5[%dma_start3A_59, %dma_start3A_60] : memref<100x128xf32, #tpu.memory_space<vmem_shared>> -> memref<100x128xf32, #tpu.memory_space<vmem_shared>>
      tpu.enqueue_indirect_dma source(%dma_start3A_61 : memref<100x128xf32, #tpu.memory_space<vmem_shared>>) target(%arg9 : memref<128x128xf32, #tpu.memory_space<vmem>>) offsets(%dma_start3A_58 : memref<128xi32, #tpu.memory_space<vmem>>) semaphore(%arg14 : memref<!tpu.dma_semaphore, #tpu.memory_space<semaphore_mem>>)
      %dma_start3A_62 = tpu.memref_slice %arg6[%min3A_42] : memref<3128xi32, #tpu.memory_space<vmem>> -> memref<128xi32, #tpu.memory_space<vmem>>
      %dma_start3A_63 = arith.constant 0 : i32
      %dma_start3A_64 = arith.constant 0 : i32
      %dma_start3A_65 = tpu.memref_slice %arg5[%dma_start3A_63, %dma_start3A_64] : memref<100x128xf32, #tpu.memory_space<vmem_shared>> -> memref<100x128xf32, #tpu.memory_space<vmem_shared>>
      tpu.enqueue_indirect_dma source(%dma_start3A_65 : memref<100x128xf32, #tpu.memory_space<vmem_shared>>) target(%arg10 : memref<128x128xf32, #tpu.memory_space<vmem>>) offsets(%dma_start3A_62 : memref<128xi32, #tpu.memory_space<vmem>>) semaphore(%arg15 : memref<!tpu.dma_semaphore, #tpu.memory_space<semaphore_mem>>)
      %dma_start3A_66 = tpu.memref_slice %arg6[%min3A_50] : memref<3128xi32, #tpu.memory_space<vmem>> -> memref<128xi32, #tpu.memory_space<vmem>>
      %dma_start3A_67 = arith.constant 0 : i32
      %dma_start3A_68 = arith.constant 0 : i32
      %dma_start3A_69 = tpu.memref_slice %arg5[%dma_start3A_67, %dma_start3A_68] : memref<100x128xf32, #tpu.memory_space<vmem_shared>> -> memref<100x128xf32, #tpu.memory_space<vmem_shared>>
      tpu.enqueue_indirect_dma source(%dma_start3A_69 : memref<100x128xf32, #tpu.memory_space<vmem_shared>>) target(%arg11 : memref<128x128xf32, #tpu.memory_space<vmem>>) offsets(%dma_start3A_66 : memref<128xi32, #tpu.memory_space<vmem>>) semaphore(%arg16 : memref<!tpu.dma_semaphore, #tpu.memory_space<semaphore_mem>>)
      %dma_wait3A = tpu.memref_slice %arg6[%min3A_18] : memref<3128xi32, #tpu.memory_space<vmem>> -> memref<128xi32, #tpu.memory_space<vmem>>
      %dma_wait3A_70 = arith.constant 0 : i32
      %dma_wait3A_71 = arith.constant 0 : i32
      %dma_wait3A_72 = tpu.memref_slice %arg5[%dma_wait3A_70, %dma_wait3A_71] : memref<100x128xf32, #tpu.memory_space<vmem_shared>> -> memref<100x128xf32, #tpu.memory_space<vmem_shared>>
      tpu.wait_indirect_dma semaphore(%arg12 : memref<!tpu.dma_semaphore, #tpu.memory_space<semaphore_mem>>) src(%dma_wait3A_72 : memref<100x128xf32, #tpu.memory_space<vmem_shared>>) dst(%arg7 : memref<128x128xf32, #tpu.memory_space<vmem>>)
      %add3A_73 = arith.addi %min3A_3, %min3A_18 : i32
      %dma_start3A_74 = arith.constant 0 : i32
      %dma_start3A_75 = tpu.memref_slice %arg4[%add3A_73, %dma_start3A_74] : memref<100000x128xf32, #tpu.memory_space<hbm>> -> memref<128x128xf32, #tpu.memory_space<hbm>>
      %dma_start3A_76 = arith.constant 0 : i32
      %dma_start3A_77 = tpu.memref_slice %arg4[%add3A_73, %dma_start3A_76] : memref<100000x128xf32, #tpu.memory_space<hbm>> -> memref<128x128xf32, #tpu.memory_space<hbm>>
      tpu.enqueue_dma source(%arg7 : memref<128x128xf32, #tpu.memory_space<vmem>>) target(%dma_start3A_77 : memref<128x128xf32, #tpu.memory_space<hbm>>) target_semaphore(%arg17 : memref<!tpu.dma_semaphore, #tpu.memory_space<semaphore_mem>>)
      %dma_wait3A_78 = tpu.memref_slice %arg6[%min3A_26] : memref<3128xi32, #tpu.memory_space<vmem>> -> memref<128xi32, #tpu.memory_space<vmem>>
      %dma_wait3A_79 = arith.constant 0 : i32
      %dma_wait3A_80 = arith.constant 0 : i32
      %dma_wait3A_81 = tpu.memref_slice %arg5[%dma_wait3A_79, %dma_wait3A_80] : memref<100x128xf32, #tpu.memory_space<vmem_shared>> -> memref<100x128xf32, #tpu.memory_space<vmem_shared>>
      tpu.wait_indirect_dma semaphore(%arg13 : memref<!tpu.dma_semaphore, #tpu.memory_space<semaphore_mem>>) src(%dma_wait3A_81 : memref<100x128xf32, #tpu.memory_space<vmem_shared>>) dst(%arg8 : memref<128x128xf32, #tpu.memory_space<vmem>>)
      %add3A_82 = arith.addi %min3A_3, %min3A_26 : i32
      %dma_start3A_83 = arith.constant 0 : i32
      %dma_start3A_84 = tpu.memref_slice %arg4[%add3A_82, %dma_start3A_83] : memref<100000x128xf32, #tpu.memory_space<hbm>> -> memref<128x128xf32, #tpu.memory_space<hbm>>
      %dma_start3A_85 = arith.constant 0 : i32
      %dma_start3A_86 = tpu.memref_slice %arg4[%add3A_82, %dma_start3A_85] : memref<100000x128xf32, #tpu.memory_space<hbm>> -> memref<128x128xf32, #tpu.memory_space<hbm>>
      tpu.enqueue_dma source(%arg8 : memref<128x128xf32, #tpu.memory_space<vmem>>) target(%dma_start3A_86 : memref<128x128xf32, #tpu.memory_space<hbm>>) target_semaphore(%arg18 : memref<!tpu.dma_semaphore, #tpu.memory_space<semaphore_mem>>)
      %dma_wait3A_87 = tpu.memref_slice %arg6[%min3A_34] : memref<3128xi32, #tpu.memory_space<vmem>> -> memref<128xi32, #tpu.memory_space<vmem>>
      %dma_wait3A_88 = arith.constant 0 : i32
      %dma_wait3A_89 = arith.constant 0 : i32
      %dma_wait3A_90 = tpu.memref_slice %arg5[%dma_wait3A_88, %dma_wait3A_89] : memref<100x128xf32, #tpu.memory_space<vmem_shared>> -> memref<100x128xf32, #tpu.memory_space<vmem_shared>>
      tpu.wait_indirect_dma semaphore(%arg14 : memref<!tpu.dma_semaphore, #tpu.memory_space<semaphore_mem>>) src(%dma_wait3A_90 : memref<100x128xf32, #tpu.memory_space<vmem_shared>>) dst(%arg9 : memref<128x128xf32, #tpu.memory_space<vmem>>)
      %add3A_91 = arith.addi %min3A_3, %min3A_34 : i32
      %dma_start3A_92 = arith.constant 0 : i32
      %dma_start3A_93 = tpu.memref_slice %arg4[%add3A_91, %dma_start3A_92] : memref<100000x128xf32, #tpu.memory_space<hbm>> -> memref<128x128xf32, #tpu.memory_space<hbm>>
      %dma_start3A_94 = arith.constant 0 : i32
      %dma_start3A_95 = tpu.memref_slice %arg4[%add3A_91, %dma_start3A_94] : memref<100000x128xf32, #tpu.memory_space<hbm>> -> memref<128x128xf32, #tpu.memory_space<hbm>>
      tpu.enqueue_dma source(%arg9 : memref<128x128xf32, #tpu.memory_space<vmem>>) target(%dma_start3A_95 : memref<128x128xf32, #tpu.memory_space<hbm>>) target_semaphore(%arg19 : memref<!tpu.dma_semaphore, #tpu.memory_space<semaphore_mem>>)
      %dma_wait3A_96 = tpu.memref_slice %arg6[%min3A_42] : memref<3128xi32, #tpu.memory_space<vmem>> -> memref<128xi32, #tpu.memory_space<vmem>>
      %dma_wait3A_97 = arith.constant 0 : i32
      %dma_wait3A_98 = arith.constant 0 : i32
      %dma_wait3A_99 = tpu.memref_slice %arg5[%dma_wait3A_97, %dma_wait3A_98] : memref<100x128xf32, #tpu.memory_space<vmem_shared>> -> memref<100x128xf32, #tpu.memory_space<vmem_shared>>
      tpu.wait_indirect_dma semaphore(%arg15 : memref<!tpu.dma_semaphore, #tpu.memory_space<semaphore_mem>>) src(%dma_wait3A_99 : memref<100x128xf32, #tpu.memory_space<vmem_shared>>) dst(%arg10 : memref<128x128xf32, #tpu.memory_space<vmem>>)
      %add3A_100 = arith.addi %min3A_3, %min3A_42 : i32
      %dma_start3A_101 = arith.constant 0 : i32
      %dma_start3A_102 = tpu.memref_slice %arg4[%add3A_100, %dma_start3A_101] : memref<100000x128xf32, #tpu.memory_space<hbm>> -> memref<128x128xf32, #tpu.memory_space<hbm>>
      %dma_start3A_103 = arith.constant 0 : i32
      %dma_start3A_104 = tpu.memref_slice %arg4[%add3A_100, %dma_start3A_103] : memref<100000x128xf32, #tpu.memory_space<hbm>> -> memref<128x128xf32, #tpu.memory_space<hbm>>
      tpu.enqueue_dma source(%arg10 : memref<128x128xf32, #tpu.memory_space<vmem>>) target(%dma_start3A_104 : memref<128x128xf32, #tpu.memory_space<hbm>>) target_semaphore(%arg20 : memref<!tpu.dma_semaphore, #tpu.memory_space<semaphore_mem>>)
      %dma_wait3A_105 = tpu.memref_slice %arg6[%min3A_50] : memref<3128xi32, #tpu.memory_space<vmem>> -> memref<128xi32, #tpu.memory_space<vmem>>
      %dma_wait3A_106 = arith.constant 0 : i32
      %dma_wait3A_107 = arith.constant 0 : i32
      %dma_wait3A_108 = tpu.memref_slice %arg5[%dma_wait3A_106, %dma_wait3A_107] : memref<100x128xf32, #tpu.memory_space<vmem_shared>> -> memref<100x128xf32, #tpu.memory_space<vmem_shared>>
      tpu.wait_indirect_dma semaphore(%arg16 : memref<!tpu.dma_semaphore, #tpu.memory_space<semaphore_mem>>) src(%dma_wait3A_108 : memref<100x128xf32, #tpu.memory_space<vmem_shared>>) dst(%arg11 : memref<128x128xf32, #tpu.memory_space<vmem>>)
      %add3A_109 = arith.addi %min3A_3, %min3A_50 : i32
      %dma_start3A_110 = arith.constant 0 : i32
      %dma_start3A_111 = tpu.memref_slice %arg4[%add3A_109, %dma_start3A_110] : memref<100000x128xf32, #tpu.memory_space<hbm>> -> memref<128x128xf32, #tpu.memory_space<hbm>>
      %dma_start3A_112 = arith.constant 0 : i32
      %dma_start3A_113 = tpu.memref_slice %arg4[%add3A_109, %dma_start3A_112] : memref<100000x128xf32, #tpu.memory_space<hbm>> -> memref<128x128xf32, #tpu.memory_space<hbm>>
      tpu.enqueue_dma source(%arg11 : memref<128x128xf32, #tpu.memory_space<vmem>>) target(%dma_start3A_113 : memref<128x128xf32, #tpu.memory_space<hbm>>) target_semaphore(%arg21 : memref<!tpu.dma_semaphore, #tpu.memory_space<semaphore_mem>>)
      %dma_wait3A_114 = arith.constant 0 : i32
      %dma_wait3A_115 = tpu.memref_slice %arg4[%add3A_73, %dma_wait3A_114] : memref<100000x128xf32, #tpu.memory_space<hbm>> -> memref<128x128xf32, #tpu.memory_space<hbm>>
      %dma_wait3A_116 = arith.constant 0 : i32
      %dma_wait3A_117 = tpu.memref_slice %arg4[%add3A_73, %dma_wait3A_116] : memref<100000x128xf32, #tpu.memory_space<hbm>> -> memref<128x128xf32, #tpu.memory_space<hbm>>
      tpu.wait_dma2 semaphore(%arg17 : memref<!tpu.dma_semaphore, #tpu.memory_space<semaphore_mem>>) src(%arg7 : memref<128x128xf32, #tpu.memory_space<vmem>>) dst(%dma_wait3A_117 : memref<128x128xf32, #tpu.memory_space<hbm>>)
      %dma_wait3A_118 = arith.constant 0 : i32
      %dma_wait3A_119 = tpu.memref_slice %arg4[%add3A_82, %dma_wait3A_118] : memref<100000x128xf32, #tpu.memory_space<hbm>> -> memref<128x128xf32, #tpu.memory_space<hbm>>
      %dma_wait3A_120 = arith.constant 0 : i32
      %dma_wait3A_121 = tpu.memref_slice %arg4[%add3A_82, %dma_wait3A_120] : memref<100000x128xf32, #tpu.memory_space<hbm>> -> memref<128x128xf32, #tpu.memory_space<hbm>>
      tpu.wait_dma2 semaphore(%arg18 : memref<!tpu.dma_semaphore, #tpu.memory_space<semaphore_mem>>) src(%arg8 : memref<128x128xf32, #tpu.memory_space<vmem>>) dst(%dma_wait3A_121 : memref<128x128xf32, #tpu.memory_space<hbm>>)
      %dma_wait3A_122 = arith.constant 0 : i32
      %dma_wait3A_123 = tpu.memref_slice %arg4[%add3A_91, %dma_wait3A_122] : memref<100000x128xf32, #tpu.memory_space<hbm>> -> memref<128x128xf32, #tpu.memory_space<hbm>>
      %dma_wait3A_124 = arith.constant 0 : i32
      %dma_wait3A_125 = tpu.memref_slice %arg4[%add3A_91, %dma_wait3A_124] : memref<100000x128xf32, #tpu.memory_space<hbm>> -> memref<128x128xf32, #tpu.memory_space<hbm>>
      tpu.wait_dma2 semaphore(%arg19 : memref<!tpu.dma_semaphore, #tpu.memory_space<semaphore_mem>>) src(%arg9 : memref<128x128xf32, #tpu.memory_space<vmem>>) dst(%dma_wait3A_125 : memref<128x128xf32, #tpu.memory_space<hbm>>)
      %dma_wait3A_126 = arith.constant 0 : i32
      %dma_wait3A_127 = tpu.memref_slice %arg4[%add3A_100, %dma_wait3A_126] : memref<100000x128xf32, #tpu.memory_space<hbm>> -> memref<128x128xf32, #tpu.memory_space<hbm>>
      %dma_wait3A_128 = arith.constant 0 : i32
      %dma_wait3A_129 = tpu.memref_slice %arg4[%add3A_100, %dma_wait3A_128] : memref<100000x128xf32, #tpu.memory_space<hbm>> -> memref<128x128xf32, #tpu.memory_space<hbm>>
      tpu.wait_dma2 semaphore(%arg20 : memref<!tpu.dma_semaphore, #tpu.memory_space<semaphore_mem>>) src(%arg10 : memref<128x128xf32, #tpu.memory_space<vmem>>) dst(%dma_wait3A_129 : memref<128x128xf32, #tpu.memory_space<hbm>>)
      %dma_wait3A_130 = arith.constant 0 : i32
      %dma_wait3A_131 = tpu.memref_slice %arg4[%add3A_109, %dma_wait3A_130] : memref<100000x128xf32, #tpu.memory_space<hbm>> -> memref<128x128xf32, #tpu.memory_space<hbm>>
      %dma_wait3A_132 = arith.constant 0 : i32
      %dma_wait3A_133 = tpu.memref_slice %arg4[%add3A_109, %dma_wait3A_132] : memref<100000x128xf32, #tpu.memory_space<hbm>> -> memref<128x128xf32, #tpu.memory_space<hbm>>
      tpu.wait_dma2 semaphore(%arg21 : memref<!tpu.dma_semaphore, #tpu.memory_space<semaphore_mem>>) src(%arg11 : memref<128x128xf32, #tpu.memory_space<vmem>>) dst(%dma_wait3A_133 : memref<128x128xf32, #tpu.memory_space<hbm>>)
    }
    %scan3A_9 = arith.constant 5 : i32
    return
  }
}

module attributes {stable_mosaic.version = 14 : i64} {
  func.func @_zeros_body(%arg0: i32, %arg1: memref<3x5000x128xf32, #tpu.memory_space<vmem>>) attributes {dimension_semantics = [#tpu.dimension_semantics<arbitrary>], iteration_bounds = array<i64: 20>, scalar_prefetch = 0 : i64, scratch_operands = 0 : i64, tpu.core_type = #tpu.core_type<tc>, window_params = [{transform_indices = @transform_0, window_bounds = array<i64: 3, 5000, 128>}]} {
    %broadcast_in_dim3A = arith.constant 0.000000e+00 : f32
    %broadcast_in_dim3A_0 = vector.broadcast %broadcast_in_dim3A : f32 to vector<3x5000x128xf32>
    %swap3A = arith.constant 0 : index
    %swap3A_1 = arith.constant 0 : index
    %swap3A_2 = arith.constant 0 : index
    %swap3A_3 = vector.load %arg1[%swap3A, %swap3A_1, %swap3A_2] : memref<3x5000x128xf32, #tpu.memory_space<vmem>>, vector<3x5000x128xf32>
    tpu.vector_store %arg1[%swap3A, %swap3A_1, %swap3A_2], %broadcast_in_dim3A_0 {strides = array<i32>} : memref<3x5000x128xf32, #tpu.memory_space<vmem>>, vector<3x5000x128xf32>,
    return
  }
  func.func @transform_0(%arg0: i32) -> (i32, i32, i32) {
    %c0_i32 = arith.constant 0 : i32
    %c0_i32_0 = arith.constant 0 : i32
    %c0_i32_1 = arith.constant 0 : i32
    return %c0_i32, %arg0, %c0_i32_0 : i32, i32, i32
  }
}

</mosaic_0001>

<sc_bundles>
// kernel: kernel.4.cloned.1.call-start
scs
__scs_entry_jumppad:
0x0: {  	(pc) =	sbr.rel $0x88, $3  }
0x1: {  	(tag) =	ssettag $0x0;
	lr =	simm.s32 $0x1  }
0x2: {  	[smem:$0x3F9F] =	sst lr;
	_ =	strace $0xD0000000  }
0x3: {  	_ = 	snop  }
0x4: {  	_ = 	snop  }
0x5: {  	_ = 	snop  }
0x6: {  	_ = 	snop  }
0x7: {  	_ = 	snop  }
__scs_overlays_trampoline_lowered:
0x8: {  	[smem:$0x3FAE] =	sst s0  }
0x9: {  	[smem:$0x3FAF] =	sst s1  }
0xa: {  	[smem:$0x3FB0] =	sst s2  }
0xb: {  	[smem:$0x3FB1] =	sst s3  }
0xc: {  	[smem:$0x3FB2] =	sst s4  }
0xd: {  	[smem:$0x3FB3] =	sst s5  }
0xe: {  	[smem:$0x3FB4] =	sst s6  }
0xf: {  	[smem:$0x3FB5] =	sst s7  }
0x10: {  	[smem:$0x3FB6] =	sst s8  }
0x11: {  	[smem:$0x3FB7] =	sst s9;
	s0 =	simm.s32 @!p0 $0x0  }
0x12: {  	s1 =	sld [smem:$0x3F9D];
	s0 =	simm.s32 @p0 $0x1  }
0x13: {  	[smem:$0x3FB8] =	sst s0;
	s0 =	simm.s32 @!p1 $0x0  }
0x14: {  	s2 =	sld [smem:$0x3F9C];
	s0 =	simm.s32 @p1 $0x1  }
0x15: {  	[smem:$0x3FB9] =	sst s0;
	s0 =	simm.s32 @!p2 $0x0  }
0x16: {  	s3 =	sld [smem:$0x3FDB];
	s0 =	simm.s32 @p2 $0x1  }
0x17: {  	s4 =	simm.s32 $0x1BF5;
	[smem:$0x3FBB] =	sst s0  }
0x18: {  	s0 =	sld [smem:$0x3F9E];
	_ =	swait.ge [sflag:s4], $0x0  }
0x19: {  	s7 =	sld [smem:$0x3F9F]  }
0x1a: {  	s8 =	sadd.s32 $0xFFFFE003, lr  }
0x1b: {  	s9 =	sadd.s32 $0xFFFFFEF7, lr;
	s5 =	simm.s32 $0xFFFFFFFF;
	p2 =	slt.u32 s8, $0xFFFFF086  }
0x1c: {  	p1 =	slt.u32 s9, $0xF7A;
	s5 =	simm.s32 @!p2 $0x0  }
0x1d: {  	s5 =	simm.s32 @p1 $0x1;
	p0 =	seq.s32 s7, s2  }
0x1e: {  	s7 =	smul.u32 @!p0 $0xF7A, s2;
	p2 =	seq.s32 @!p0 s5, $0x0  }
0x1f: {  	s9 =	smul.u32 $0xF7A, s1;
	s8 =	simm.s32 @!p0 $0x1BF5;
	p2 =	por !p2, p0  }
0x20: {  	[sflag:s8] =	ssyncset.s32 @!p0 $0xFFFFF086;
	s6 =	sadd.s32 @!p0 s3, s7;
	s7 =	simm.s32 @!p0 $0x108  }
0x21: {  	s3 =	sadd.s32 s3, s9;
	s6 =	sadd.s32 @!p0 $0x88, s6;
	s7 =	simm.s32 @p2 $0x1082  }
0x22: {  	[simem:s7], [sflag:s8] =	dma.local @!p0 [hbm:s6], $0xF7A  }
0x23: {  	s9 =	sor.u32 $0xD0000000, s2;
	s6 =	simm.s32 $0x108;
	_ =	swait.ge @!p0 [sflag:s8], $0x0  }
0x24: {  	s3 =	sadd.s32 $0x88, s3;
	s6 =	simm.s32 @!p1 $0x1082;
	[sflag:s4] =	ssyncset.s32 $0xFFFFF086  }
0x25: {  	[simem:s6], [sflag:s4] =	dma.local [hbm:s3], $0xF7A  }
0x26: {  	[smem:$0x3F9F] =	sst s1;
	(tag) =	ssettag s2;
	_ =	strace s9  }
0x27: {  	s1 =	sld [smem:$0x3FAF]  }
0x28: {  	s2 =	sld [smem:$0x3FB0]  }
0x29: {  	s4 =	sld [smem:$0x3FB2]  }
0x2a: {  	p0 =	seq.s32 s5, $0x0;
	s5 =	sld [smem:$0x3FB3]  }
0x2b: {  	s6 =	sld [smem:$0x3FB4]  }
0x2c: {  	s7 =	sld [smem:$0x3FB5]  }
0x2d: {  	s3 =	simm.s32 $0x108;
	s8 =	sld [smem:$0x3FB6]  }
0x2e: {  	s3 =	simm.s32 @!p0 $0x1082;
	s9 =	sld [smem:$0x3FB7]  }
0x2f: {  	lr =	sadd.s32 s0, s3;
	s0 =	sld [smem:$0x3FAE]  }
0x30: {  	s3 =	sld [smem:$0x3FB1]  }
0x31: {  	[smem:$0x3FBA] =	sst s10  }
0x32: {  	s10 =	sld [smem:$0x3FB8];
	_ =	sdelay $0x3  }
0x33: {  	p0 =	seq.s32 s10, $0x1;
	s10 =	sld [smem:$0x3FBA];
	_ =	sdelay $0x3  }
0x34: {  	[smem:$0x3FBA] =	sst s10  }
0x35: {  	s10 =	sld [smem:$0x3FB9];
	_ =	sdelay $0x3  }
0x36: {  	p1 =	seq.s32 s10, $0x1;
	s10 =	sld [smem:$0x3FBA];
	_ =	sdelay $0x3  }
0x37: {  	[smem:$0x3FBA] =	sst s10  }
0x38: {  	s10 =	sld [smem:$0x3FBB]  }
0x39: {  	_ = 	snop;
	(pc) =	sbr.ind lr, $3  }
0x3a: {  	_ = 	snop  }
0x3b: {  	_ = 	snop  }
0x3c: {  	p2 =	seq.s32 s10, $0x1;
	s10 =	sld [smem:$0x3FBA]  }
0x3d: {  	_ =	shalt  }
0x3e: {  	_ =	shalt  }
0x3f: {  	_ =	shalt  }
0x40: {  	_ =	shalt  }
0x41: {  	_ =	shalt  }
0x42: {  	_ =	shalt  }
0x43: {  	_ =	shalt  }
0x44: {  	_ =	shalt  }
0x45: {  	_ =	shalt  }
0x46: {  	_ =	shalt  }
0x47: {  	_ =	shalt  }
0x48: {  	_ =	shalt  }
0x49: {  	_ =	shalt  }
0x4a: {  	_ =	shalt  }
0x4b: {  	_ =	shalt  }
0x4c: {  	_ =	shalt  }
0x4d: {  	_ =	shalt  }
0x4e: {  	_ =	shalt  }
0x4f: {  	_ =	shalt  }
0x50: {  	_ =	shalt  }
0x51: {  	_ =	shalt  }
0x52: {  	_ =	shalt  }
0x53: {  	_ =	shalt  }
0x54: {  	_ =	shalt  }
0x55: {  	_ =	shalt  }
0x56: {  	_ =	shalt  }
0x57: {  	_ =	shalt  }
0x58: {  	_ =	shalt  }
0x59: {  	_ =	shalt  }
0x5a: {  	_ =	shalt  }
0x5b: {  	_ =	shalt  }
0x5c: {  	_ =	shalt  }
0x5d: {  	_ =	shalt  }
0x5e: {  	_ =	shalt  }
0x5f: {  	_ =	shalt  }
0x60: {  	_ =	shalt  }
0x61: {  	_ =	shalt  }
0x62: {  	_ =	shalt  }
0x63: {  	_ =	shalt  }
0x64: {  	_ =	shalt  }
0x65: {  	_ =	shalt  }
0x66: {  	_ =	shalt  }
0x67: {  	_ =	shalt  }
0x68: {  	_ =	shalt  }
0x69: {  	_ =	shalt  }
0x6a: {  	_ =	shalt  }
0x6b: {  	_ =	shalt  }
0x6c: {  	_ =	shalt  }
0x6d: {  	_ =	shalt  }
0x6e: {  	_ =	shalt  }
0x6f: {  	_ =	shalt  }
0x70: {  	_ =	shalt  }
0x71: {  	_ =	shalt  }
0x72: {  	_ =	shalt  }
0x73: {  	_ =	shalt  }
0x74: {  	_ =	shalt  }
0x75: {  	_ =	shalt  }
0x76: {  	_ =	shalt  }
0x77: {  	_ =	shalt  }
0x78: {  	_ =	shalt  }
0x79: {  	_ =	shalt  }
0x7a: {  	_ =	shalt  }
0x7b: {  	_ =	shalt  }
0x7c: {  	_ =	shalt  }
0x7d: {  	_ =	shalt  }
0x7e: {  	_ =	shalt  }
0x7f: {  	_ =	shalt  }
0x80: {  	_ =	shalt  }
0x81: {  	_ =	shalt  }
0x82: {  	_ =	shalt  }
0x83: {  	_ =	shalt  }
0x84: {  	_ =	shalt  }
0x85: {  	_ =	shalt  }
0x86: {  	_ =	shalt  }
0x87: {  	_ =	shalt  }
.Lfunc_end0:
.L_simem_size_0:
called_computation_lowered:
.L_overlay_start_0:
0x88: {  	s2 =	sld [smem:$0x3FD9]  }
0x89: {  	s3 =	sld [smem:$0x3FFE];
	_ =	sdelay $0x1  }
0x8a: {  	s1 =	srdreg.scid  }
0x8b: {  	s0 =	sand.u32 $0x1, s1  }
0x8c: {  	s15 =	sshll.u32 s0, $0xA;
	s2 =	sadd.s32 s3, s2  }
0x8d: {  	s2 =	sadd.s32 s2, s15  }
0x8e: {  	[smem:$0x3FC6] =	sst s2  }
0x8f: {  	_ = 	snop  }
0x90: {  	s2 =	sld [smem:$0x3FD0];
	_ =	sdelay $0x1  }
0x91: {  	s16 =	sld [smem:$0x3FC9]  }
0x92: {  	s5 =	simm.s32 $0xA;
	s6 =	simm.s32 $0x10;
	s4 =	sld [smem:$0x3FC8]  }
0x93: {  	[smem:s6], [sflag:s5] =	dma.local [hbm:s2], $0x1  }
0x94: {  	_ =	swait.eq [sflag:s5], $0x1  }
0x95: {  	[sflag:s5] =	ssyncset.done $0x0  }
0x96: {  	[sflag:s5] =	ssyncadd.s32 $0xFFFFFFFF  }
0x97: {  	s17 =	sld [smem:$0x10];
	(tm) =	ssettm $0x1  }
0x98: {  	s18 =	sld [smem:$0x3FFB];
	_ =	sdelay $0x3  }
0x99: {  	_ =	strace s18  }
0x9a: {  	s5 =	sld [smem:$0x3FFC];
	_ =	sdelay $0x3  }
0x9b: {  	_ =	strace s5  }
0x9c: {  	s5 =	sld [smem:$0x3FFD];
	_ =	sdelay $0x3  }
0x9d: {  	_ =	strace s5  }
0x9e: {  	_ =	strace $0x8FFFFFFF  }
0x9f: {  	s19 =	sld [smem:$0x3FDB];
	_ =	sdelay $0x1  }
0xa0: {  	s20 =	simm.s32 $_scs_section_size  }
0xa1: {  	s7 =	simm.s32 $_size__tile_overlayer_lowered;
	s8 =	simm.s32 $_tile_overlayer_lowered  }
0xa2: {  	s23 =	simm.s32 $0x1BFF;
	s22 =	sshll.u32 s8, $0x1;
	s5 =	sadd.s32 s20, s19  }
0xa3: {  	s9 =	simm.s32 $0x0;
	s21 =	sshll.u32 s7, $0x1;
	s7 =	sadd.s32 s22, s5  }
0xa4: {  	[timem:s9], [sflag:s23] =	dma.local [hbm:s7], s21  }
0xa5: {  	_ =	swait.ge [sflag:s23], s21  }
0xa6: {  	s6 =	ssub.s32 $0x0, s21;
	[sflag:s23] =	ssyncset.done $0x0  }
0xa7: {  	[sflag:s23] =	ssyncadd.s32 s6;
	_ =	sdelay $0x1  }
0xa8: {  	s24 =	simm.s32 $0x1B8B  }
0xa9: {  	_ =	swait.ge [sflag:s24], $0x1  }
0xaa: {  	[sflag:s24] =	ssyncset.done $0x0  }
0xab: {  	s25 =	simm.s32 $0x1B8E;
	[sflag:s24] =	ssyncadd.s32 $0xFFFFFFFF  }
0xac: {  	s26 =	simm.s32 $execute0_lowered;
	[smem:$0x3FD2] =	sst s25  }
0xad: {  	s6 =	sshll.u32 s26, $0x1;
	_ =	strace $0x80000046;
	[dreg:$0x1] =	wrdreg $0xFFFFFFFF  }
0xae: {  	s28 =	simm.s32 $_size_execute0_lowered;
	s5 =	sadd.s32 s5, s6;
	[dreg:$0x0] =	wrdreg $0x0  }
0xaf: {  	s6 =	sshll.u32 s28, $0x1;
	[dreg:$0x2] =	wrdreg s5  }
0xb0: {  	[dreg:$0x3] =	wrdreg s6  }
0xb1: {  	[dreg:$0x4] =	wrdreg $0xC0  }
0xb2: {  	_ =	task [dreg:s9], $0x5FFFF  }
0xb3: {  	[dreg:$0x1] =	wrdreg $0xFFFFFFFF  }
0xb4: {  	[dreg:$0x0] =	wrdreg $0x60  }
0xb5: {  	[dreg:$0x2] =	wrdreg s4  }
0xb6: {  	[dreg:$0x3] =	wrdreg s16  }
0xb7: {  	[dreg:$0x4] =	wrdreg s17  }
0xb8: {  	[dreg:$0x5] =	wrdreg $0x0  }
0xb9: {  	[dreg:$0x6] =	wrdreg $0x9  }
0xba: {  	_ =	task.clear_ibuf [dreg:s9], $0x7FFFF;
	_ =	strace $0x90000046  }
0xbb: {  	s29 =	simm.s32 $0x9;
	_ =	strace $0x80000048  }
0xbc: {  	_ =	swait.ge [sflag:s29], $0x1  }
0xbd: {  	[sflag:s29] =	ssyncadd.s32 $0xFFFFFFFF  }
0xbe: {  	_ =	strace $0x90000048  }
0xbf: {  	_ =	sfence  }
0xc0: {  	s30 =	sld [smem:$0x0];
	_ =	sdelay $0x2  }
0xc1: {  	s31 =	sshll.u32 s1, $0xD;
	s1 =	sshrl.u32 s1, $0x2  }
0xc2: {  	s3 =	sand.u32 $0x4000, s31;
	s1 =	sadd.s32 s1, s30  }
0xc3: {  	s0 =	sor.u32 s3, s0;
	s1 =	sshll.u32 s1, $0x11  }
0xc4: {  	s0 =	sor.u32 s1, s0  }
0xc5: {  	s0 =	sadd.s32 $0x8F2B, s0  }
0xc6: {  	[sflag:s0] =	ssyncadd.remote.s32 $0x1  }
0xc7: {  	_ =	sfence.sel $0xFFFF  }
0xc8: {  	[dreg:$0x0] =	wrdreg $0xFFFFFFFF;
	(pc) =	sbr.abs _section_cstart, $3  }
0xc9: {  	[dreg:$0x1] =	wrdreg $0xFFFFFFFF  }
0xca: {  	_ =	task.clear_ibuf [dreg:s9], $0x2FFFF;
	_ =	strace $0x9FFFFFFF  }
0xcb: {  	(tm) =	ssettm $0x7FFFFFFF  }
tec
execute0_lowered:
.L_overlay_start_1:
0x0: {  	(tag) =	ssettag $0x1  }
0x1: {  	s1 =	srdreg.scid;
	s6 =	rddreg [dreg:$0x1]  }
0x2: {  	s8 =	stileid.u32;
	s2 =	rddreg [dreg:$0x2];
	s11 =	simm.s32 $0x80  }
0x3: {  	s12 =	simm.s32 $0xFA0;
	s13 =	simm.s32 $0x4FA0;
	s14 =	simm.s32 $0x8FA0  }
0x4: {  	s15 =	simm.s32 $0xCFA0;
	s16 =	simm.s32 $0x10FA0;
	s17 =	simm.s32 $0x1  }
0x5: {  	s18 =	simm.s32 $0x2;
	s19 =	simm.s32 $0x3;
	s20 =	simm.s32 $0x4  }
0x6: {  	s21 =	simm.s32 $0x5;
	s22 =	simm.s32 $0x6;
	s23 =	simm.s32 $0x7  }
0x7: {  	s24 =	simm.s32 $0x8;
	s25 =	simm.s32 $0x9;
	s26 =	simm.s32 $0xA  }
0x8: {  	s1 =	sand.u32 $0x1, s1;
	s3 =	sshll.u32 s8, $0x1;
	s7 =	smul.u32 $0x1870, s8  }
0x9: {  	s28 =	simm.s32 $0x0;
	s4 =	sor.u32 s1, s3;
	s9 =	smul.u32 $0xC38, s1  }
0xa: {  	p0 =	sne.s32 s8, $0x0;
	s1 =	ssub.s32 $0x2, s1;
	s5 =	smul.u32 $0xC38, s4  }
0xb: {  	s3 =	rddreg [dreg:$0x3];
	s4 =	simm.s32 $0x0;
	s29 =	sshrl.u32 s1, $0x1  }
0xc: {  	s8 =	sshrl.u32 @!p0 s3, $0x3;
	s7 =	sadd.s32 s9, s7;
	s5 =	smin.u32 s5, $0x17A68  }
0xd: {  	[smem:$0x7FF] =	sst s4;
	s7 =	smin.u32 s7, $0x17A68;
	s10 =	sshrl.u32 s5, $0x3  }
0xe: {  	s1 =	ssub.s32 s1, s29;
	s30 =	sshll.u32 s7, $0x4;
	s0 =	sadd.s32 s6, s10  }
0xf: {  	_ =	strace $0x80000047;
	s31 =	sadd.s32 s30, s2;
	[dreg:$0x6] =	wrdreg s0  }
0x10: {  	s7 =	smax.u32 s1, $0x1;
	s10 =	simm.s32 $0xB;
	[dreg:$0x5] =	wrdreg s31  }
.LBB2_1:
0x11: {  	s1 =	simm.s32 @!p0 $0x1C0B;
	s0 =	rddreg [dreg:$0x0]  }
0x12: {  	[spmem:s8], [sflag:s1] =	dma.local @!p0 [hbm:s0], $0x640  }
0x13: {  	s1 =	simm.s32 @!p0 $0xB  }
0x14: {  	_ =	swait.ge @!p0 [sflag:s1], $0x640  }
0x15: {  	[sflag:s1] =	ssyncset.done @!p0 $0x0  }
0x16: {  	s6 =	simm.s32 $0x320;
	[sflag:s1] =	ssyncadd.s32 @!p0 $0xFFFFF9C0;
	s1 =	rddreg [dreg:$0x6]  }
0x17: {  	[tilespmem:s6], [sflag:$0xB] =	stream.linear.gather [hbm4b:s1+s4], $0xC38, $0x38;
	[tilespmem:$0x14FA0] =	vst v63  }
0x18: {  	_ =	swait.ge [sflag:s10], $0xC38  }
0x19: {  	[sflag:s10] =	ssyncset.done $0x0  }
0x1a: {  	[sflag:s10] =	ssyncadd.s32 $0xFFFFF3C8  }
0x1b: {  	s9 =	simm.s32 $0x320;
	[bflag:$0x0] =	sbarrier.arrive $0xFFFF  }
0x1c: {  	[tilespmem:s12], [sflag:$0x1] =	stream.indirect.gather [spmem:s3], $0x80, s9, s11, $0xb8;
	[tilespmem:$0x14FA0] =	vst v63  }
0x1d: {  	s0 =	simm.s32 $0x3A0  }
0x1e: {  	[tilespmem:s13], [sflag:$0x2] =	stream.indirect.gather [spmem:s3], $0x80, s0, s11, $0xb8;
	[tilespmem:$0x14FA0] =	vst v63  }
0x1f: {  	s6 =	simm.s32 $0x420  }
0x20: {  	[tilespmem:s14], [sflag:$0x3] =	stream.indirect.gather [spmem:s3], $0x80, s6, s11, $0xb8;
	[tilespmem:$0x14FA0] =	vst v63  }
0x21: {  	s29 =	smin.u32 s4, $0x9B8;
	s9 =	simm.s32 $0x4A0  }
0x22: {  	[tilespmem:s15], [sflag:$0x4] =	stream.indirect.gather [spmem:s3], $0x80, s9, s11, $0xb8;
	[tilespmem:$0x14FA0] =	vst v63  }
0x23: {  	s0 =	sadd.s32 $0x520, s29  }
0x24: {  	[tilespmem:s16], [sflag:$0x5] =	stream.indirect.gather [spmem:s3], $0x80, s0, s11, $0xb8;
	[tilespmem:$0x14FA0] =	vst v63  }
0x25: {  	_ =	swait.ge [sflag:s17], $0x4000  }
0x26: {  	s6 =	rddreg [dreg:$0x5];
	[sflag:s17] =	ssyncset.done $0x0  }
0x27: {  	[sflag:s17] =	ssyncadd.s32 $0xFFFFC000;
	s1 =	sadd.s32 $0x0, s6  }
0x28: {  	[hbm4b:s1+s4] =	stream.linear.scatter [tilespmem:s12], [sflag:$0x6], $0x4000, $0x38;
	[tilespmem:$0x14FA0] =	vst v63  }
0x29: {  	_ =	swait.ge [sflag:s18], $0x4000  }
0x2a: {  	[sflag:s18] =	ssyncset.done $0x0  }
0x2b: {  	s30 =	sadd.s32 $0x800, s1;
	[sflag:s18] =	ssyncadd.s32 $0xFFFFC000  }
0x2c: {  	[hbm4b:s30+s4] =	stream.linear.scatter [tilespmem:s13], [sflag:$0x7], $0x4000, $0x38;
	[tilespmem:$0x14FA0] =	vst v63  }
0x2d: {  	_ =	swait.ge [sflag:s19], $0x4000  }
0x2e: {  	[sflag:s19] =	ssyncset.done $0x0  }
0x2f: {  	s30 =	sadd.s32 $0x1000, s1;
	[sflag:s19] =	ssyncadd.s32 $0xFFFFC000  }
0x30: {  	[hbm4b:s30+s4] =	stream.linear.scatter [tilespmem:s14], [sflag:$0x8], $0x4000, $0x38;
	[tilespmem:$0x14FA0] =	vst v63  }
0x31: {  	_ =	swait.ge [sflag:s20], $0x4000  }
0x32: {  	[sflag:s20] =	ssyncset.done $0x0  }
0x33: {  	s29 =	sadd.s32 s5, s29;
	s1 =	sadd.s32 $0x1800, s1;
	[sflag:s20] =	ssyncadd.s32 $0xFFFFC000  }
0x34: {  	[hbm4b:s1+s4] =	stream.linear.scatter [tilespmem:s15], [sflag:$0x9], $0x4000, $0x38;
	[tilespmem:$0x14FA0] =	vst v63  }
0x35: {  	s9 =	sshll.u32 s29, $0x4;
	_ =	swait.ge [sflag:s21], $0x4000  }
0x36: {  	s1 =	sadd.s32 s2, s9;
	[sflag:s21] =	ssyncset.done $0x0  }
0x37: {  	s1 =	sadd.s32 $0x2000, s1;
	[sflag:s21] =	ssyncadd.s32 $0xFFFFC000  }
0x38: {  	[hbm4b:s1+s4] =	stream.linear.scatter [tilespmem:s16], [sflag:$0xA], $0x4000, $0x38;
	[tilespmem:$0x14FA0] =	vst v63  }
0x39: {  	_ =	swait.ge [sflag:s22], $0x4000  }
0x3a: {  	[sflag:s22] =	ssyncset.done $0x0  }
0x3b: {  	[sflag:s22] =	ssyncadd.s32 $0xFFFFC000  }
0x3c: {  	_ =	swait.ge [sflag:s23], $0x4000  }
0x3d: {  	[sflag:s23] =	ssyncset.done $0x0  }
0x3e: {  	[sflag:s23] =	ssyncadd.s32 $0xFFFFC000  }
0x3f: {  	_ =	swait.ge [sflag:s24], $0x4000  }
0x40: {  	[sflag:s24] =	ssyncset.done $0x0  }
0x41: {  	[sflag:s24] =	ssyncadd.s32 $0xFFFFC000  }
0x42: {  	_ =	swait.ge [sflag:s25], $0x4000  }
0x43: {  	[sflag:s25] =	ssyncset.done $0x0  }
0x44: {  	[sflag:s25] =	ssyncadd.s32 $0xFFFFC000  }
0x45: {  	s31 =	simm.s32 $0x0;
	s29 =	simm.s32 $0x2800;
	_ =	swait.ge [sflag:s26], $0x4000  }
0x46: {  	s30 =	simm.s32 $0x720;
	s1 =	simm.s32 $0x5000;
	[sflag:s26] =	ssyncset.done $0x0  }
.LBB2_2:
0x47: {  	s0 =	sadd.s32 $0xFFFFFE80, s30;
	[sflag:s26] =	ssyncadd.s32 $0xFFFFC000  }
0x48: {  	[tilespmem:s12], [sflag:$0x1] =	stream.indirect.gather [spmem:s3], $0x80, s0, s11, $0xb8;
	[tilespmem:$0x14FA0] =	vst v63  }
0x49: {  	s6 =	sadd.s32 $0xFFFFFF00, s30  }
0x4a: {  	[tilespmem:s13], [sflag:$0x2] =	stream.indirect.gather [spmem:s3], $0x80, s6, s11, $0xb8;
	[tilespmem:$0x14FA0] =	vst v63  }
0x4b: {  	s31 =	sadd.s32 $0x280, s31;
	s6 =	sadd.s32 $0xFFFFFF80, s30  }
0x4c: {  	[tilespmem:s14], [sflag:$0x3] =	stream.indirect.gather [spmem:s3], $0x80, s6, s11, $0xb8;
	[tilespmem:$0x14FA0] =	vst v63  }
0x4d: {  	s0 =	smin.u32 s31, $0x9B8  }
0x4e: {  	[tilespmem:s15], [sflag:$0x4] =	stream.indirect.gather [spmem:s3], $0x80, s30, s11, $0xb8;
	[tilespmem:$0x14FA0] =	vst v63  }
0x4f: {  	s6 =	sadd.s32 s5, s0;
	s0 =	sadd.s32 $0x520, s0  }
0x50: {  	[tilespmem:s16], [sflag:$0x5] =	stream.indirect.gather [spmem:s3], $0x80, s0, s11, $0xb8;
	[tilespmem:$0x14FA0] =	vst v63  }
0x51: {  	_ =	swait.ge [sflag:s17], $0x4000  }
0x52: {  	s0 =	sshll.u32 s6, $0x4;
	s6 =	rddreg [dreg:$0x5];
	[sflag:s17] =	ssyncset.done $0x0  }
0x53: {  	[sflag:s17] =	ssyncadd.s32 $0xFFFFC000;
	s6 =	sadd.s32 s29, s6  }
0x54: {  	[hbm4b:s6+s4] =	stream.linear.scatter [tilespmem:s12], [sflag:$0x6], $0x4000, $0x38;
	[tilespmem:$0x14FA0] =	vst v63  }
0x55: {  	_ =	swait.ge [sflag:s18], $0x4000  }
0x56: {  	s9 =	smov.u32 s1;
	[sflag:s18] =	ssyncset.done $0x0  }
0x57: {  	s29 =	smov.u32 s9;
	s9 =	sadd.s32 $0x800, s6;
	[sflag:s18] =	ssyncadd.s32 $0xFFFFC000  }
0x58: {  	[hbm4b:s9+s4] =	stream.linear.scatter [tilespmem:s13], [sflag:$0x7], $0x4000, $0x38;
	[tilespmem:$0x14FA0] =	vst v63  }
0x59: {  	_ =	swait.ge [sflag:s19], $0x4000  }
0x5a: {  	[sflag:s19] =	ssyncset.done $0x0  }
0x5b: {  	s9 =	sadd.s32 $0x1000, s6;
	[sflag:s19] =	ssyncadd.s32 $0xFFFFC000  }
0x5c: {  	[hbm4b:s9+s4] =	stream.linear.scatter [tilespmem:s14], [sflag:$0x8], $0x4000, $0x38;
	[tilespmem:$0x14FA0] =	vst v63  }
0x5d: {  	_ =	swait.ge [sflag:s20], $0x4000  }
0x5e: {  	[sflag:s20] =	ssyncset.done $0x0  }
0x5f: {  	s6 =	sadd.s32 $0x1800, s6;
	[sflag:s20] =	ssyncadd.s32 $0xFFFFC000  }
0x60: {  	[hbm4b:s6+s4] =	stream.linear.scatter [tilespmem:s15], [sflag:$0x9], $0x4000, $0x38;
	[tilespmem:$0x14FA0] =	vst v63  }
0x61: {  	_ =	swait.ge [sflag:s21], $0x4000  }
0x62: {  	s0 =	sadd.s32 s2, s0;
	[sflag:s21] =	ssyncset.done $0x0  }
0x63: {  	s0 =	sadd.s32 $0x2000, s0;
	[sflag:s21] =	ssyncadd.s32 $0xFFFFC000  }
0x64: {  	[hbm4b:s0+s4] =	stream.linear.scatter [tilespmem:s16], [sflag:$0xA], $0x4000, $0x38;
	[tilespmem:$0x14FA0] =	vst v63  }
0x65: {  	_ =	swait.ge [sflag:s22], $0x4000  }
0x66: {  	[sflag:s22] =	ssyncset.done $0x0  }
0x67: {  	[sflag:s22] =	ssyncadd.s32 $0xFFFFC000  }
0x68: {  	_ =	swait.ge [sflag:s23], $0x4000  }
0x69: {  	[sflag:s23] =	ssyncset.done $0x0  }
0x6a: {  	[sflag:s23] =	ssyncadd.s32 $0xFFFFC000  }
0x6b: {  	_ =	swait.ge [sflag:s24], $0x4000  }
0x6c: {  	[sflag:s24] =	ssyncset.done $0x0  }
0x6d: {  	p1 =	sne.s32 s1, $0xA000;
	[sflag:s24] =	ssyncadd.s32 $0xFFFFC000  }
.Ltmp0:
0x6e: {  	_ =	swait.ge [sflag:s25], $0x4000;
	(pc) =	sbr.rel @p1 .LBB2_2-.Ltmp0, $4  }
0x6f: {  	[sflag:s25] =	ssyncset.done $0x0  }
0x70: {  	[sflag:s25] =	ssyncadd.s32 $0xFFFFC000  }
0x71: {  	_ =	swait.ge [sflag:s26], $0x4000  }
0x72: {  	s1 =	sadd.s32 $0x2800, s1;
	s30 =	sadd.s32 $0x280, s30;
	[sflag:s26] =	ssyncset.done $0x0  }
0x73: {  	s0 =	sadd.s32 $0xFFFFFE80, s30;
	[sflag:s26] =	ssyncadd.s32 $0xFFFFC000  }
0x74: {  	[tilespmem:s12], [sflag:$0x1] =	stream.indirect.gather [spmem:s3], $0x80, s0, s11, $0xb8;
	[tilespmem:$0x14FA0] =	vst v63  }
0x75: {  	s1 =	sadd.s32 $0xFFFFFF00, s30  }
0x76: {  	[tilespmem:s13], [sflag:$0x2] =	stream.indirect.gather [spmem:s3], $0x80, s1, s11, $0xb8;
	[tilespmem:$0x14FA0] =	vst v63  }
0x77: {  	s6 =	sadd.s32 $0x280, s31;
	s1 =	sadd.s32 $0xFFFFFF80, s30  }
0x78: {  	[tilespmem:s14], [sflag:$0x3] =	stream.indirect.gather [spmem:s3], $0x80, s1, s11, $0xb8;
	[tilespmem:$0x14FA0] =	vst v63  }
0x79: {  	s0 =	smin.u32 s6, $0x9B8  }
0x7a: {  	[tilespmem:s15], [sflag:$0x4] =	stream.indirect.gather [spmem:s3], $0x80, s30, s11, $0xb8;
	[tilespmem:$0x14FA0] =	vst v63  }
0x7b: {  	s9 =	sadd.s32 $0x520, s0  }
0x7c: {  	[tilespmem:s16], [sflag:$0x5] =	stream.indirect.gather [spmem:s3], $0x80, s9, s11, $0xb8;
	[tilespmem:$0x14FA0] =	vst v63  }
0x7d: {  	_ =	swait.ge [sflag:s17], $0x4000  }
0x7e: {  	s30 =	rddreg [dreg:$0x5];
	[sflag:s17] =	ssyncset.done $0x0  }
0x7f: {  	[sflag:s17] =	ssyncadd.s32 $0xFFFFC000;
	s1 =	sadd.s32 s29, s30  }
0x80: {  	[hbm4b:s1+s4] =	stream.linear.scatter [tilespmem:s12], [sflag:$0x6], $0x4000, $0x38;
	[tilespmem:$0x14FA0] =	vst v63  }
0x81: {  	_ =	swait.ge [sflag:s18], $0x4000  }
0x82: {  	[sflag:s18] =	ssyncset.done $0x0  }
0x83: {  	s6 =	sadd.s32 $0x800, s1;
	[sflag:s18] =	ssyncadd.s32 $0xFFFFC000  }
0x84: {  	[hbm4b:s6+s4] =	stream.linear.scatter [tilespmem:s13], [sflag:$0x7], $0x4000, $0x38;
	[tilespmem:$0x14FA0] =	vst v63  }
0x85: {  	_ =	swait.ge [sflag:s19], $0x4000  }
0x86: {  	[sflag:s19] =	ssyncset.done $0x0  }
0x87: {  	s31 =	sadd.s32 $0x1000, s1;
	[sflag:s19] =	ssyncadd.s32 $0xFFFFC000  }
0x88: {  	[hbm4b:s31+s4] =	stream.linear.scatter [tilespmem:s14], [sflag:$0x8], $0x4000, $0x38;
	[tilespmem:$0x14FA0] =	vst v63  }
0x89: {  	_ =	swait.ge [sflag:s20], $0x4000  }
0x8a: {  	[sflag:s20] =	ssyncset.done $0x0  }
0x8b: {  	s0 =	sadd.s32 s5, s0;
	s1 =	sadd.s32 $0x1800, s1;
	[sflag:s20] =	ssyncadd.s32 $0xFFFFC000  }
0x8c: {  	[hbm4b:s1+s4] =	stream.linear.scatter [tilespmem:s15], [sflag:$0x9], $0x4000, $0x38;
	[tilespmem:$0x14FA0] =	vst v63  }
0x8d: {  	s0 =	sshll.u32 s0, $0x4;
	_ =	swait.ge [sflag:s21], $0x4000  }
0x8e: {  	s0 =	sadd.s32 s2, s0;
	[sflag:s21] =	ssyncset.done $0x0  }
0x8f: {  	s0 =	sadd.s32 $0x2000, s0;
	[sflag:s21] =	ssyncadd.s32 $0xFFFFC000  }
0x90: {  	[hbm4b:s0+s4] =	stream.linear.scatter [tilespmem:s16], [sflag:$0xA], $0x4000, $0x38;
	[tilespmem:$0x14FA0] =	vst v63  }
0x91: {  	_ =	swait.ge [sflag:s22], $0x4000  }
0x92: {  	[sflag:s22] =	ssyncset.done $0x0  }
0x93: {  	[sflag:s22] =	ssyncadd.s32 $0xFFFFC000  }
0x94: {  	_ =	swait.ge [sflag:s23], $0x4000  }
0x95: {  	[sflag:s23] =	ssyncset.done $0x0  }
0x96: {  	[sflag:s23] =	ssyncadd.s32 $0xFFFFC000  }
0x97: {  	_ =	swait.ge [sflag:s24], $0x4000  }
0x98: {  	[sflag:s24] =	ssyncset.done $0x0  }
0x99: {  	s28 =	sadd.s32 $0x1, s28;
	[sflag:s24] =	ssyncadd.s32 $0xFFFFC000  }
0x9a: {  	p1 =	sne.s32 s28, s7;
	_ =	swait.ge [sflag:s25], $0x4000  }
.Ltmp1:
0x9b: {  	[sflag:s25] =	ssyncset.done $0x0;
	(pc) =	sbr.rel @p1 .LBB2_1-.Ltmp1, $4  }
0x9c: {  	[sflag:s25] =	ssyncadd.s32 $0xFFFFC000  }
0x9d: {  	_ =	swait.ge [sflag:s26], $0x4000  }
0x9e: {  	[sflag:s26] =	ssyncset.done $0x0  }
0x9f: {  	[sflag:s26] =	ssyncadd.s32 $0xFFFFC000  }
0xa0: {  	_ =	sfence.sel $0x180000  }
0xa1: {  	[bflag:$0x0] =	sbarrier.arrive $0xFFFF  }
0xa2: {  	_ =	strace $0x90000047  }
0xa3: {  	[bflag:$0x2] =	sbarrier.arrive $0xFFFF  }
0xa4: {  	s0 =	rddreg [dreg:$0x4]  }
0xa5: {  	s0 =	sadd.s32 @!p0 $0x100000, s0  }
0xa6: {  	[sflag:s0] =	ssyncadd.tile.s32 @!p0 $0x1;
	_ =	shalt  }
.Lfunc_end2:
_tile_overlayer_lowered:
.L_overlay_start_2:
0xa7: {  	(tag) =	ssettag $0x2  }
0xa8: {  	s0 =	rddreg [dreg:$0x0];
	s2 =	stileid.u32  }
0xa9: {  	s1 =	rddreg [dreg:$0x1];
	p0 =	sne.s32 s2, $0x0  }
0xaa: {  	s3 =	rddreg [dreg:$0x2];
	[bflag:$0x3] =	sbarrier.arrive $0xFFFF;
	s2 =	simm.s32 @!p0 $0x1C0B  }
0xab: {  	[timem:s3], [sflag:s2] =	dma.local @!p0 [hbm:s0], s1  }
0xac: {  	s0 =	simm.s32 @!p0 $0xB  }
0xad: {  	_ =	swait.ge @!p0 [sflag:s0], s1  }
0xae: {  	s1 =	ssub.s32 @!p0 $0x0, s1;
	[sflag:s0] =	ssyncset.done @!p0 $0x0  }
0xaf: {  	[sflag:s0] =	ssyncadd.s32 @!p0 s1  }
0xb0: {  	[bflag:$0x3] =	sbarrier.arrive $0xFFFF  }
0xb1: {  	_ =	shalt  }

</sc_bundles>
